<compile_context>
chip_gen: v7x
topology: tpu7x:2x2x1
jax: 0.10.2.dev20260603
libtpu: 0.0.44.dev20260713+nightly
codegen_flags: <defaults>
</compile_context>

<pallas_src>
import functools

import jax
import jax.numpy as jnp
from jax import lax
from jax.experimental import pallas as pl
from jax.experimental.pallas import tpu as pltpu
from jax.experimental.pallas import tpu_sc as plsc

L = 16
NC, NS = 2, 16
NW = NC * NS


def _build_counts(B, D):
    rows_pw = B // NW
    nfull = D // L
    tail = D - nfull * L
    buf_n = rows_pw * D

    mesh = plsc.VectorSubcoreMesh(core_axis_name="c", subcore_axis_name="s")

    @functools.partial(
        pl.kernel,
        mesh=mesh,
        out_type=jax.ShapeDtypeStruct((B * D,), jnp.float32),
        compiler_params=pltpu.CompilerParams(needs_layout_passes=False),
        scratch_types=[
            pltpu.VMEM((buf_n,), jnp.float32),
            pltpu.VMEM((buf_n,), jnp.float32),
            pltpu.SemaphoreType.DMA,
        ],
    )
    def counts(in_hbm, c_hbm, buf, cbuf, sem):
        wid = lax.axis_index("s") * NC + lax.axis_index("c")
        base = wid * buf_n
        cp = pltpu.async_copy(in_hbm.at[pl.ds(base, buf_n)], buf, sem)
        zero = jnp.zeros((L,), jnp.float32)

        def zero_fn(z, _):
            for u in range(4):
                cbuf[pl.ds(z * 4 * L + u * L, L)] = zero
            return 0

        lax.fori_loop(0, buf_n // (4 * L), zero_fn, 0)
        cp.wait()
        lane = lax.iota(jnp.int32, L)
        ones = jnp.full((L,), 1.0, jnp.float32)

        def row_fn(r, _):
            roff = r * D

            def jbody(j, c):
                inv = buf[pl.ds(roff + j * L, L)]
                plsc.addupdate_scatter(
                    cbuf, [inv.astype(jnp.int32) + roff], ones
                )
                return c

            lax.fori_loop(0, nfull, jbody, 0)
            taddr = jnp.where(lane < tail, roff + nfull * L + lane, roff)
            inv = plsc.load_gather(buf, [taddr])
            plsc.addupdate_scatter(
                cbuf, [inv.astype(jnp.int32) + roff], ones, mask=lane < tail
            )
            return 0

        lax.fori_loop(0, rows_pw, row_fn, 0)
        pltpu.sync_copy(cbuf, c_hbm.at[pl.ds(base, buf_n)])

    return counts


def _build_combine(B, D, K, blk):
    def body(x_ref, c_ref, v_ref, w_ref, o_ref):
        v = v_ref[...]
        c = c_ref[...]
        s = jnp.dot(c, v, preferred_element_type=jnp.float32)
        wd = jnp.dot(x_ref[...], w_ref[...],
                     preferred_element_type=jnp.float32)
        rn2 = jnp.sum(v * v, axis=1, keepdims=True)
        q = jnp.dot(c, rn2, preferred_element_type=jnp.float32)
        inter = 0.5 * (jnp.sum(s * s, axis=1) - q[:, 0])
        o_ref[0, 0, :] = wd[:, 0] + inter

    grid = B // blk
    return pl.pallas_call(
        body,
        grid=(grid,),
        in_specs=[
            pl.BlockSpec((blk, D), lambda i: (i, 0)),
            pl.BlockSpec((blk, D), lambda i: (i, 0)),
            pl.BlockSpec((D, K), lambda i: (0, 0)),
            pl.BlockSpec((D, 1), lambda i: (0, 0)),
        ],
        out_specs=pl.BlockSpec((1, 1, blk), lambda i: (i, 0, 0)),
        out_shape=jax.ShapeDtypeStruct((grid, 1, blk), jnp.float32),
    )


def kernel(inputs, w, v):
    B, D = inputs.shape
    Dv, K = v.shape
    in_flat = inputs.reshape(-1)
    c_flat = _build_counts(B, D)(in_flat)
    counts2d = c_flat.reshape(B, D)
    out = _build_combine(B, D, K, 128)(inputs, counts2d, v, w)
    return out.reshape(B)

# --- scband reference (transcript-rebuilt; emitter-appended) ---
"""Pipeline reference for scband-fm-30605936951318 (READ-ONLY COPY).

The authoritative reference and input builder live on the scoring server;
editing this copy changes nothing except your own understanding.
"""

import jax, jax.numpy as jnp
import numpy as np

B = 1024
D = 1000  # total one-hot dimension (sum of feature column shapes)
K = 16


def setup_inputs(seed: int = 0) -> dict:
    key = jax.random.key(seed)
    k1, k2, k3 = jax.random.split(key, 3)
    # inputs: float tensor whose values are valid row indices (Keras Embedding casts to int)
    inputs = jax.random.randint(k1, (B, D), 0, D).astype(jnp.float32)
    # w: tf.random.normal shape (D, 1)
    w = jax.random.normal(k2, (D, 1), dtype=jnp.float32)
    # v: Embedding table (D, K) with GlorotUniform init
    limit = np.sqrt(6.0 / (D + K)).astype(np.float32)
    v = jax.random.uniform(k3, (D, K), dtype=jnp.float32, minval=-limit, maxval=limit)
    return {"inputs": inputs, "w": w, "v": v}


def reference(inputs, w, v):
    # first-order term: logits = squeeze(inputs @ w)
    logits = jnp.squeeze(jnp.matmul(inputs, w), axis=-1)  # [B]
    # Keras Embedding casts inputs to integer indices, then gathers rows
    idx = inputs.astype(jnp.int32)  # [B, D]
    emb = jnp.take(v, idx, axis=0)  # [B, D, K]
    square_of_sum = jnp.square(jnp.sum(emb, axis=1))  # [B, K]
    sum_of_square = jnp.sum(jnp.square(emb), axis=1)  # [B, K]
    logits = logits + 0.5 * jnp.sum(square_of_sum - sum_of_square, axis=1)  # [B]
    return logits

if __name__ == "__main__":
    import jax
    _d = setup_inputs()
    print(jax.jit(kernel)(*tuple(_d.values())))

</pallas_src>

<mosaic_0001>
#map = affine_map<(d0, d1) -> (0)>
module attributes {stable_mosaic.version = 14 : i64} {
  func.func @counts(%arg0: i32, %arg1: i32, %arg2: memref<1024000xf32, #tpu.memory_space<hbm>>, %arg3: memref<1024000xf32, #tpu.memory_space<hbm>>, %arg4: memref<32000xf32, #tpu.memory_space<vmem>>, %arg5: memref<32000xf32, #tpu.memory_space<vmem>>, %arg6: memref<!tpu.dma_semaphore, #tpu.memory_space<semaphore_mem>>) attributes {dimension_semantics = [#tpu.dimension_semantics<core_parallel>, #tpu.dimension_semantics<subcore_parallel>], iteration_bounds = array<i64: 2, 16>, scalar_prefetch = 0 : i64, scratch_operands = 3 : i64, tpu.core_type = #tpu.core_type<sc_vector_subcore>, window_params = [{transform_indices = #map}, {transform_indices = #map}]} {
    %mul3A = arith.constant 2 : i32
    %mul3A_0 = arith.muli %arg1, %mul3A : i32
    %add3A = arith.addi %mul3A_0, %arg0 : i32
    %mul3A_1 = arith.constant 32000 : i32
    %mul3A_2 = arith.muli %add3A, %mul3A_1 : i32
    %dma_start3A = tpu.memref_slice %arg2[%mul3A_2] : memref<1024000xf32, #tpu.memory_space<hbm>> -> memref<32000xf32, #tpu.memory_space<hbm>>
    %dma_start3A_3 = tpu.memref_slice %arg2[%mul3A_2] : memref<1024000xf32, #tpu.memory_space<hbm>> -> memref<32000xf32, #tpu.memory_space<hbm>>
    tpu.enqueue_dma source(%dma_start3A_3 : memref<32000xf32, #tpu.memory_space<hbm>>) target(%arg4 : memref<32000xf32, #tpu.memory_space<vmem>>) target_semaphore(%arg6 : memref<!tpu.dma_semaphore, #tpu.memory_space<semaphore_mem>>)
    %broadcast_in_dim3A = arith.constant 0.000000e+00 : f32
    %broadcast_in_dim3A_4 = vector.broadcast %broadcast_in_dim3A : f32 to vector<16xf32>
    %scan3A = arith.constant 0 : i32
    %scan3A_5 = arith.constant 0 : i32
    %scan3A_6 = arith.constant 500 : i32
    %scan3A_7 = arith.addi %scan3A_5, %scan3A_6 : i32
    %scan3A_8 = arith.constant 1 : i32
    %scan3A_9 = scf.for %scan3A_21 = %scan3A_5 to %scan3A_7 step %scan3A_8 iter_args(%scan3A_22 = %scan3A) -> (i32)  : i32 {
      %mul3A_23 = arith.constant 4 : i32
      %mul3A_24 = arith.muli %scan3A_21, %mul3A_23 : i32
      %mul3A_25 = arith.constant 16 : i32
      %mul3A_26 = arith.muli %mul3A_24, %mul3A_25 : i32
      %add3A_27 = arith.constant 0 : i32
      %add3A_28 = arith.addi %mul3A_26, %add3A_27 : i32
      %swap3A = arith.index_cast %add3A_28 : i32 to index
      %swap3A_29 = tpu.vector_load %arg5[%swap3A] {strides = array<i32>} : memref<32000xf32, #tpu.memory_space<vmem>>, vector<16xf32>,
      tpu.vector_store %arg5[%swap3A], %broadcast_in_dim3A_4 {strides = array<i32>} : memref<32000xf32, #tpu.memory_space<vmem>>, vector<16xf32>,
      %mul3A_30 = arith.constant 4 : i32
      %mul3A_31 = arith.muli %scan3A_21, %mul3A_30 : i32
      %mul3A_32 = arith.constant 16 : i32
      %mul3A_33 = arith.muli %mul3A_31, %mul3A_32 : i32
      %add3A_34 = arith.constant 16 : i32
      %add3A_35 = arith.addi %mul3A_33, %add3A_34 : i32
      %swap3A_36 = arith.index_cast %add3A_35 : i32 to index
      %swap3A_37 = tpu.vector_load %arg5[%swap3A_36] {strides = array<i32>} : memref<32000xf32, #tpu.memory_space<vmem>>, vector<16xf32>,
      tpu.vector_store %arg5[%swap3A_36], %broadcast_in_dim3A_4 {strides = array<i32>} : memref<32000xf32, #tpu.memory_space<vmem>>, vector<16xf32>,
      %mul3A_38 = arith.constant 4 : i32
      %mul3A_39 = arith.muli %scan3A_21, %mul3A_38 : i32
      %mul3A_40 = arith.constant 16 : i32
      %mul3A_41 = arith.muli %mul3A_39, %mul3A_40 : i32
      %add3A_42 = arith.constant 32 : i32
      %add3A_43 = arith.addi %mul3A_41, %add3A_42 : i32
      %swap3A_44 = arith.index_cast %add3A_43 : i32 to index
      %swap3A_45 = tpu.vector_load %arg5[%swap3A_44] {strides = array<i32>} : memref<32000xf32, #tpu.memory_space<vmem>>, vector<16xf32>,
      tpu.vector_store %arg5[%swap3A_44], %broadcast_in_dim3A_4 {strides = array<i32>} : memref<32000xf32, #tpu.memory_space<vmem>>, vector<16xf32>,
      %mul3A_46 = arith.constant 4 : i32
      %mul3A_47 = arith.muli %scan3A_21, %mul3A_46 : i32
      %mul3A_48 = arith.constant 16 : i32
      %mul3A_49 = arith.muli %mul3A_47, %mul3A_48 : i32
      %add3A_50 = arith.constant 48 : i32
      %add3A_51 = arith.addi %mul3A_49, %add3A_50 : i32
      %swap3A_52 = arith.index_cast %add3A_51 : i32 to index
      %swap3A_53 = tpu.vector_load %arg5[%swap3A_52] {strides = array<i32>} : memref<32000xf32, #tpu.memory_space<vmem>>, vector<16xf32>,
      tpu.vector_store %arg5[%swap3A_52], %broadcast_in_dim3A_4 {strides = array<i32>} : memref<32000xf32, #tpu.memory_space<vmem>>, vector<16xf32>,
      %scan3A_54 = arith.constant 0 : i32
      scf.yield %scan3A_54 : i32
    }
    %scan3A_10 = arith.constant 500 : i32
    %dma_wait3A = tpu.memref_slice %arg2[%mul3A_2] : memref<1024000xf32, #tpu.memory_space<hbm>> -> memref<32000xf32, #tpu.memory_space<hbm>>
    %dma_wait3A_11 = tpu.memref_slice %arg2[%mul3A_2] : memref<1024000xf32, #tpu.memory_space<hbm>> -> memref<32000xf32, #tpu.memory_space<hbm>>
    tpu.wait_dma2 semaphore(%arg6 : memref<!tpu.dma_semaphore, #tpu.memory_space<semaphore_mem>>) src(%dma_wait3A_11 : memref<32000xf32, #tpu.memory_space<hbm>>) dst(%arg4 : memref<32000xf32, #tpu.memory_space<vmem>>)
    %iota3A = tpu.iota {dimensions = array<i32: 0>} : vector<16xi32>
    %broadcast_in_dim3A_12 = arith.constant 1.000000e+00 : f32
    %broadcast_in_dim3A_13 = vector.broadcast %broadcast_in_dim3A_12 : f32 to vector<16xf32>
    %scan3A_14 = arith.constant 0 : i32
    %scan3A_15 = arith.constant 0 : i32
    %scan3A_16 = arith.constant 32 : i32
    %scan3A_17 = arith.addi %scan3A_15, %scan3A_16 : i32
    %scan3A_18 = arith.constant 1 : i32
    %scan3A_19 = scf.for %scan3A_21 = %scan3A_15 to %scan3A_17 step %scan3A_18 iter_args(%scan3A_22 = %scan3A_14) -> (i32)  : i32 {
      %mul3A_23 = arith.constant 1000 : i32
      %mul3A_24 = arith.muli %scan3A_21, %mul3A_23 : i32
      %scan3A_25 = arith.constant 0 : i32
      %scan3A_26 = arith.constant 0 : i32
      %scan3A_27 = arith.constant 62 : i32
      %scan3A_28 = arith.addi %scan3A_26, %scan3A_27 : i32
      %scan3A_29 = arith.constant 1 : i32
      scf.for %scan3A_44 = %scan3A_26 to %scan3A_28 step %scan3A_29  : i32 {
        %mul3A_45 = arith.constant 16 : i32
        %mul3A_46 = arith.muli %scan3A_44, %mul3A_45 : i32
        %add3A_47 = arith.addi %mul3A_24, %mul3A_46 : i32
        %get3A = arith.index_cast %add3A_47 : i32 to index
        %get3A_48 = tpu.vector_load %arg4[%get3A] {strides = array<i32>} : memref<32000xf32, #tpu.memory_space<vmem>>, vector<16xf32>,
        %convert_element_type3A_49 = arith.fptosi %get3A_48 : vector<16xf32> to vector<16xi32>
        %add3A_50 = vector.broadcast %mul3A_24 : i32 to vector<16xi32>
        %add3A_51 = arith.addi %convert_element_type3A_49, %add3A_50 : vector<16xi32>
        tpu.vector_store_idx %arg5[%add3A_51], %broadcast_in_dim3A_13 {add = true} : memref<32000xf32, #tpu.memory_space<vmem>>[vector<16xi32>], vector<16xf32>,
      }
      %scan3A_30 = arith.constant 62 : i32
      %lt3A = arith.constant 8 : i32
      %lt3A_31 = vector.broadcast %lt3A : i32 to vector<16xi32>
      %lt3A_32 = arith.cmpi slt, %iota3A, %lt3A_31 : vector<16xi32>
      %add3A_33 = arith.constant 992 : i32
      %add3A_34 = arith.addi %mul3A_24, %add3A_33 : i32
      %add3A_35 = vector.broadcast %add3A_34 : i32 to vector<16xi32>
      %add3A_36 = arith.addi %add3A_35, %iota3A : vector<16xi32>
      %broadcast_in_dim3A_37 = vector.broadcast %mul3A_24 : i32 to vector<16xi32>
      %select_n3A = arith.select %lt3A_32, %add3A_36, %broadcast_in_dim3A_37 : vector<16xi1>, vector<16xi32>
      %gather3A = tpu.vector_load_idx %arg4[%select_n3A] : memref<32000xf32, #tpu.memory_space<vmem>>[vector<16xi32>], vector<16xf32>,
      %convert_element_type3A = arith.fptosi %gather3A : vector<16xf32> to vector<16xi32>
      %add3A_38 = vector.broadcast %mul3A_24 : i32 to vector<16xi32>
      %add3A_39 = arith.addi %convert_element_type3A, %add3A_38 : vector<16xi32>
      %lt3A_40 = arith.constant 8 : i32
      %lt3A_41 = vector.broadcast %lt3A_40 : i32 to vector<16xi32>
      %lt3A_42 = arith.cmpi slt, %iota3A, %lt3A_41 : vector<16xi32>
      tpu.vector_store_idx %arg5[%add3A_39], %broadcast_in_dim3A_13 masked %lt3A_42 {add = true} : memref<32000xf32, #tpu.memory_space<vmem>>[vector<16xi32>], vector<16xf32>, vector<16xi1>
      %scan3A_43 = arith.constant 0 : i32
      scf.yield %scan3A_43 : i32
    }
    %scan3A_20 = arith.constant 32 : i32
    "tpu.region"() ({
      %run_scoped3A = tpu.sem_alloc : memref<!tpu.dma_semaphore, #tpu.memory_space<semaphore_mem>>
      %dma_start3A_21 = tpu.memref_slice %arg3[%mul3A_2] : memref<1024000xf32, #tpu.memory_space<hbm>> -> memref<32000xf32, #tpu.memory_space<hbm>>
      %dma_start3A_22 = tpu.memref_slice %arg3[%mul3A_2] : memref<1024000xf32, #tpu.memory_space<hbm>> -> memref<32000xf32, #tpu.memory_space<hbm>>
      tpu.enqueue_dma source(%arg5 : memref<32000xf32, #tpu.memory_space<vmem>>) target(%dma_start3A_22 : memref<32000xf32, #tpu.memory_space<hbm>>) target_semaphore(%run_scoped3A : memref<!tpu.dma_semaphore, #tpu.memory_space<semaphore_mem>>)
      %dma_wait3A_23 = tpu.memref_slice %arg3[%mul3A_2] : memref<1024000xf32, #tpu.memory_space<hbm>> -> memref<32000xf32, #tpu.memory_space<hbm>>
      %dma_wait3A_24 = tpu.memref_slice %arg3[%mul3A_2] : memref<1024000xf32, #tpu.memory_space<hbm>> -> memref<32000xf32, #tpu.memory_space<hbm>>
      tpu.wait_dma2 semaphore(%run_scoped3A : memref<!tpu.dma_semaphore, #tpu.memory_space<semaphore_mem>>) src(%arg5 : memref<32000xf32, #tpu.memory_space<vmem>>) dst(%dma_wait3A_24 : memref<32000xf32, #tpu.memory_space<hbm>>)
      tpu.yield
    }) : () -> ()
    return
  }
}

module attributes {stable_mosaic.version = 14 : i64} {
  func.func @body(%arg0: i32, %arg1: memref<128x1000xf32, #tpu.memory_space<vmem>>, %arg2: memref<128x1000xf32, #tpu.memory_space<vmem>>, %arg3: memref<1000x16xf32, #tpu.memory_space<vmem>>, %arg4: memref<1000x1xf32, #tpu.memory_space<vmem>>, %arg5: memref<1x1x128xf32, #tpu.memory_space<vmem>>) attributes {dimension_semantics = [#tpu.dimension_semantics<arbitrary>], iteration_bounds = array<i64: 8>, scalar_prefetch = 0 : i64, scratch_operands = 0 : i64, tpu.core_type = #tpu.core_type<tc>, window_params = [{transform_indices = @transform_0, window_bounds = array<i64: 128, 1000>}, {transform_indices = @transform_1, window_bounds = array<i64: 128, 1000>}, {pipeline_mode = #tpu.pipeline_mode<synchronous>, transform_indices = @transform_2, window_bounds = array<i64: 1000, 16>}, {pipeline_mode = #tpu.pipeline_mode<synchronous>, transform_indices = @transform_3, window_bounds = array<i64: 1000, 1>}, {transform_indices = @transform_4, window_bounds = array<i64: 1, 1, 128>}]} {
    %get3A = arith.constant 0 : index
    %get3A_0 = arith.constant 0 : index
    %get3A_1 = vector.load %arg3[%get3A, %get3A_0] : memref<1000x16xf32, #tpu.memory_space<vmem>>, vector<1000x16xf32>
    %get3A_2 = arith.constant 0 : index
    %get3A_3 = arith.constant 0 : index
    %get3A_4 = vector.load %arg2[%get3A_2, %get3A_3] : memref<128x1000xf32, #tpu.memory_space<vmem>>, vector<128x1000xf32>
    %dot_general3A = arith.constant dense<0.000000e+00> : vector<128x16xf32>
    %dot_general3A_5 = tpu.matmul %get3A_4, %get3A_1, %dot_general3A {dimension_numbers = #tpu.dot_dimension_numbers<[1], [0], [0], [1], [0, 0, 1, 1], [], []>, transpose_lhs_hint = false} : vector<128x1000xf32>, vector<1000x16xf32>, vector<128x16xf32> -> vector<128x16xf32>
    %get3A_6 = arith.constant 0 : index
    %get3A_7 = arith.constant 0 : index
    %get3A_8 = vector.load %arg1[%get3A_6, %get3A_7] : memref<128x1000xf32, #tpu.memory_space<vmem>>, vector<128x1000xf32>
    %get3A_9 = arith.constant 0 : index
    %get3A_10 = arith.constant 0 : index
    %get3A_11 = vector.load %arg4[%get3A_9, %get3A_10] : memref<1000x1xf32, #tpu.memory_space<vmem>>, vector<1000x1xf32>
    %dot_general3A_12 = arith.constant dense<0.000000e+00> : vector<128x1xf32>
    %dot_general3A_13 = tpu.matmul %get3A_8, %get3A_11, %dot_general3A_12 {dimension_numbers = #tpu.dot_dimension_numbers<[1], [0], [0], [1], [0, 0, 1, 1], [], []>, transpose_lhs_hint = false} : vector<128x1000xf32>, vector<1000x1xf32>, vector<128x1xf32> -> vector<128x1xf32>
    %mul3A = arith.mulf %get3A_1, %get3A_1 : vector<1000x16xf32>
    %reduce_sum3A = arith.constant dense<0.000000e+00> : vector<1000xf32>
    %reduce_sum3A_14 = vector.multi_reduction <add>, %mul3A, %reduce_sum3A [1] : vector<1000x16xf32> to vector<1000xf32>
    %broadcast_in_dim3A = vector.shape_cast %reduce_sum3A_14 : vector<1000xf32> to vector<1000x1xf32>
    %dot_general3A_15 = arith.constant dense<0.000000e+00> : vector<128x1xf32>
    %dot_general3A_16 = tpu.matmul %get3A_4, %broadcast_in_dim3A, %dot_general3A_15 {dimension_numbers = #tpu.dot_dimension_numbers<[1], [0], [0], [1], [0, 0, 1, 1], [], []>, transpose_lhs_hint = false} : vector<128x1000xf32>, vector<1000x1xf32>, vector<128x1xf32> -> vector<128x1xf32>
    %mul3A_17 = arith.mulf %dot_general3A_5, %dot_general3A_5 : vector<128x16xf32>
    %reduce_sum3A_18 = arith.constant dense<0.000000e+00> : vector<128xf32>
    %reduce_sum3A_19 = vector.multi_reduction <add>, %mul3A_17, %reduce_sum3A_18 [1] : vector<128x16xf32> to vector<128xf32>
    %squeeze3A = vector.shape_cast %dot_general3A_16 : vector<128x1xf32> to vector<128xf32>
    %sub3A = arith.subf %reduce_sum3A_19, %squeeze3A : vector<128xf32>
    %mul3A_20 = arith.constant 5.000000e-01 : f32
    %mul3A_21 = vector.broadcast %mul3A_20 : f32 to vector<128xf32>
    %mul3A_22 = arith.mulf %mul3A_21, %sub3A : vector<128xf32>
    %squeeze3A_23 = vector.shape_cast %dot_general3A_13 : vector<128x1xf32> to vector<128xf32>
    %add3A = arith.addf %squeeze3A_23, %mul3A_22 : vector<128xf32>
    %swap3A = arith.constant 0 : index
    %swap3A_24 = arith.constant 0 : index
    %swap3A_25 = arith.constant 0 : index
    %swap3A_26 = vector.load %arg5[%swap3A, %swap3A_24, %swap3A_25] : memref<1x1x128xf32, #tpu.memory_space<vmem>>, vector<1x1x128xf32>
    %swap3A_27 = vector.shape_cast %swap3A_26 : vector<1x1x128xf32> to vector<128xf32>
    %swap3A_28 = vector.shape_cast %add3A : vector<128xf32> to vector<1x1x128xf32>
    tpu.vector_store %arg5[%swap3A, %swap3A_24, %swap3A_25], %swap3A_28 {strides = array<i32>} : memref<1x1x128xf32, #tpu.memory_space<vmem>>, vector<1x1x128xf32>,
    return
  }
  func.func @transform_0(%arg0: i32) -> (i32, i32) {
    %c0_i32 = arith.constant 0 : i32
    %c0_i32_0 = arith.constant 0 : i32
    return %arg0, %c0_i32 : i32, i32
  }
  func.func @transform_1(%arg0: i32) -> (i32, i32) {
    %c0_i32 = arith.constant 0 : i32
    %c0_i32_0 = arith.constant 0 : i32
    return %arg0, %c0_i32 : i32, i32
  }
  func.func @transform_2(%arg0: i32) -> (i32, i32) {
    %c0_i32 = arith.constant 0 : i32
    %c0_i32_0 = arith.constant 0 : i32
    %c0_i32_1 = arith.constant 0 : i32
    return %c0_i32, %c0_i32_0 : i32, i32
  }
  func.func @transform_3(%arg0: i32) -> (i32, i32) {
    %c0_i32 = arith.constant 0 : i32
    %c0_i32_0 = arith.constant 0 : i32
    %c0_i32_1 = arith.constant 0 : i32
    return %c0_i32, %c0_i32_0 : i32, i32
  }
  func.func @transform_4(%arg0: i32) -> (i32, i32, i32) {
    %c0_i32 = arith.constant 0 : i32
    %c0_i32_0 = arith.constant 0 : i32
    %c0_i32_1 = arith.constant 0 : i32
    return %arg0, %c0_i32, %c0_i32_0 : i32, i32, i32
  }
}

</mosaic_0001>

<sc_bundles>
// kernel: kernel.4.cloned.1.call-start
scs
__scs_entry_jumppad:
0x0: {  	(pc) =	sbr.rel $0x88, $3  }
0x1: {  	(tag) =	ssettag $0x0;
	lr =	simm.s32 $0x1  }
0x2: {  	[smem:$0x3F9E] =	sst lr;
	_ =	strace $0xD0000000  }
0x3: {  	_ = 	snop  }
0x4: {  	_ = 	snop  }
0x5: {  	_ = 	snop  }
0x6: {  	_ = 	snop  }
0x7: {  	_ = 	snop  }
__scs_overlays_trampoline_lowered:
0x8: {  	[smem:$0x3FAD] =	sst s0  }
0x9: {  	[smem:$0x3FAE] =	sst s1  }
0xa: {  	[smem:$0x3FAF] =	sst s2  }
0xb: {  	[smem:$0x3FB0] =	sst s3  }
0xc: {  	[smem:$0x3FB1] =	sst s4  }
0xd: {  	[smem:$0x3FB2] =	sst s5  }
0xe: {  	[smem:$0x3FB3] =	sst s6  }
0xf: {  	[smem:$0x3FB4] =	sst s7  }
0x10: {  	[smem:$0x3FB5] =	sst s8  }
0x11: {  	[smem:$0x3FB6] =	sst s9;
	s0 =	simm.s32 @!p0 $0x0  }
0x12: {  	s1 =	sld [smem:$0x3F9C];
	s0 =	simm.s32 @p0 $0x1  }
0x13: {  	[smem:$0x3FB7] =	sst s0;
	s0 =	simm.s32 @!p1 $0x0  }
0x14: {  	s2 =	sld [smem:$0x3F9B];
	s0 =	simm.s32 @p1 $0x1  }
0x15: {  	[smem:$0x3FB8] =	sst s0;
	s0 =	simm.s32 @!p2 $0x0  }
0x16: {  	s3 =	sld [smem:$0x3FDB];
	s0 =	simm.s32 @p2 $0x1  }
0x17: {  	s4 =	simm.s32 $0x1BF5;
	[smem:$0x3FBA] =	sst s0  }
0x18: {  	s0 =	sld [smem:$0x3F9D];
	_ =	swait.ge [sflag:s4], $0x0  }
0x19: {  	s7 =	sld [smem:$0x3F9E]  }
0x1a: {  	s8 =	sadd.s32 $0xFFFFE003, lr  }
0x1b: {  	s9 =	sadd.s32 $0xFFFFFEF7, lr;
	s5 =	simm.s32 $0xFFFFFFFF;
	p2 =	slt.u32 s8, $0xFFFFF086  }
0x1c: {  	p1 =	slt.u32 s9, $0xF7A;
	s5 =	simm.s32 @!p2 $0x0  }
0x1d: {  	s5 =	simm.s32 @p1 $0x1;
	p0 =	seq.s32 s7, s2  }
0x1e: {  	s7 =	smul.u32 @!p0 $0xF7A, s2;
	p2 =	seq.s32 @!p0 s5, $0x0  }
0x1f: {  	s9 =	smul.u32 $0xF7A, s1;
	s8 =	simm.s32 @!p0 $0x1BF5;
	p2 =	por !p2, p0  }
0x20: {  	[sflag:s8] =	ssyncset.s32 @!p0 $0xFFFFF086;
	s6 =	sadd.s32 @!p0 s3, s7;
	s7 =	simm.s32 @!p0 $0x108  }
0x21: {  	s3 =	sadd.s32 s3, s9;
	s6 =	sadd.s32 @!p0 $0x88, s6;
	s7 =	simm.s32 @p2 $0x1082  }
0x22: {  	[simem:s7], [sflag:s8] =	dma.local @!p0 [hbm:s6], $0xF7A  }
0x23: {  	s9 =	sor.u32 $0xD0000000, s2;
	s6 =	simm.s32 $0x108;
	_ =	swait.ge @!p0 [sflag:s8], $0x0  }
0x24: {  	s3 =	sadd.s32 $0x88, s3;
	s6 =	simm.s32 @!p1 $0x1082;
	[sflag:s4] =	ssyncset.s32 $0xFFFFF086  }
0x25: {  	[simem:s6], [sflag:s4] =	dma.local [hbm:s3], $0xF7A  }
0x26: {  	[smem:$0x3F9E] =	sst s1;
	(tag) =	ssettag s2;
	_ =	strace s9  }
0x27: {  	s1 =	sld [smem:$0x3FAE]  }
0x28: {  	s2 =	sld [smem:$0x3FAF]  }
0x29: {  	s4 =	sld [smem:$0x3FB1]  }
0x2a: {  	p0 =	seq.s32 s5, $0x0;
	s5 =	sld [smem:$0x3FB2]  }
0x2b: {  	s6 =	sld [smem:$0x3FB3]  }
0x2c: {  	s7 =	sld [smem:$0x3FB4]  }
0x2d: {  	s3 =	simm.s32 $0x108;
	s8 =	sld [smem:$0x3FB5]  }
0x2e: {  	s3 =	simm.s32 @!p0 $0x1082;
	s9 =	sld [smem:$0x3FB6]  }
0x2f: {  	lr =	sadd.s32 s0, s3;
	s0 =	sld [smem:$0x3FAD]  }
0x30: {  	s3 =	sld [smem:$0x3FB0]  }
0x31: {  	[smem:$0x3FB9] =	sst s10  }
0x32: {  	s10 =	sld [smem:$0x3FB7];
	_ =	sdelay $0x3  }
0x33: {  	p0 =	seq.s32 s10, $0x1;
	s10 =	sld [smem:$0x3FB9];
	_ =	sdelay $0x3  }
0x34: {  	[smem:$0x3FB9] =	sst s10  }
0x35: {  	s10 =	sld [smem:$0x3FB8];
	_ =	sdelay $0x3  }
0x36: {  	p1 =	seq.s32 s10, $0x1;
	s10 =	sld [smem:$0x3FB9];
	_ =	sdelay $0x3  }
0x37: {  	[smem:$0x3FB9] =	sst s10  }
0x38: {  	s10 =	sld [smem:$0x3FBA]  }
0x39: {  	_ = 	snop;
	(pc) =	sbr.ind lr, $3  }
0x3a: {  	_ = 	snop  }
0x3b: {  	_ = 	snop  }
0x3c: {  	p2 =	seq.s32 s10, $0x1;
	s10 =	sld [smem:$0x3FB9]  }
0x3d: {  	_ =	shalt  }
0x3e: {  	_ =	shalt  }
0x3f: {  	_ =	shalt  }
0x40: {  	_ =	shalt  }
0x41: {  	_ =	shalt  }
0x42: {  	_ =	shalt  }
0x43: {  	_ =	shalt  }
0x44: {  	_ =	shalt  }
0x45: {  	_ =	shalt  }
0x46: {  	_ =	shalt  }
0x47: {  	_ =	shalt  }
0x48: {  	_ =	shalt  }
0x49: {  	_ =	shalt  }
0x4a: {  	_ =	shalt  }
0x4b: {  	_ =	shalt  }
0x4c: {  	_ =	shalt  }
0x4d: {  	_ =	shalt  }
0x4e: {  	_ =	shalt  }
0x4f: {  	_ =	shalt  }
0x50: {  	_ =	shalt  }
0x51: {  	_ =	shalt  }
0x52: {  	_ =	shalt  }
0x53: {  	_ =	shalt  }
0x54: {  	_ =	shalt  }
0x55: {  	_ =	shalt  }
0x56: {  	_ =	shalt  }
0x57: {  	_ =	shalt  }
0x58: {  	_ =	shalt  }
0x59: {  	_ =	shalt  }
0x5a: {  	_ =	shalt  }
0x5b: {  	_ =	shalt  }
0x5c: {  	_ =	shalt  }
0x5d: {  	_ =	shalt  }
0x5e: {  	_ =	shalt  }
0x5f: {  	_ =	shalt  }
0x60: {  	_ =	shalt  }
0x61: {  	_ =	shalt  }
0x62: {  	_ =	shalt  }
0x63: {  	_ =	shalt  }
0x64: {  	_ =	shalt  }
0x65: {  	_ =	shalt  }
0x66: {  	_ =	shalt  }
0x67: {  	_ =	shalt  }
0x68: {  	_ =	shalt  }
0x69: {  	_ =	shalt  }
0x6a: {  	_ =	shalt  }
0x6b: {  	_ =	shalt  }
0x6c: {  	_ =	shalt  }
0x6d: {  	_ =	shalt  }
0x6e: {  	_ =	shalt  }
0x6f: {  	_ =	shalt  }
0x70: {  	_ =	shalt  }
0x71: {  	_ =	shalt  }
0x72: {  	_ =	shalt  }
0x73: {  	_ =	shalt  }
0x74: {  	_ =	shalt  }
0x75: {  	_ =	shalt  }
0x76: {  	_ =	shalt  }
0x77: {  	_ =	shalt  }
0x78: {  	_ =	shalt  }
0x79: {  	_ =	shalt  }
0x7a: {  	_ =	shalt  }
0x7b: {  	_ =	shalt  }
0x7c: {  	_ =	shalt  }
0x7d: {  	_ =	shalt  }
0x7e: {  	_ =	shalt  }
0x7f: {  	_ =	shalt  }
0x80: {  	_ =	shalt  }
0x81: {  	_ =	shalt  }
0x82: {  	_ =	shalt  }
0x83: {  	_ =	shalt  }
0x84: {  	_ =	shalt  }
0x85: {  	_ =	shalt  }
0x86: {  	_ =	shalt  }
0x87: {  	_ =	shalt  }
.Lfunc_end0:
.L_simem_size_0:
called_computation_lowered:
.L_overlay_start_0:
0x88: {  	s2 =	sld [smem:$0x3FD9]  }
0x89: {  	s3 =	sld [smem:$0x3FFE];
	_ =	sdelay $0x1  }
0x8a: {  	s1 =	srdreg.scid  }
0x8b: {  	s0 =	sand.u32 $0x1, s1  }
0x8c: {  	s16 =	sshll.u32 s0, $0xA;
	s2 =	sadd.s32 s3, s2  }
0x8d: {  	s2 =	sadd.s32 s2, s16  }
0x8e: {  	[smem:$0x3FC5] =	sst s2  }
0x8f: {  	_ = 	snop  }
0x90: {  	(tm) =	ssettm $0x1  }
0x91: {  	s17 =	sld [smem:$0x3FFB];
	_ =	sdelay $0x3  }
0x92: {  	_ =	strace s17  }
0x93: {  	s2 =	sld [smem:$0x3FFC];
	_ =	sdelay $0x3  }
0x94: {  	_ =	strace s2  }
0x95: {  	s2 =	sld [smem:$0x3FFD];
	_ =	sdelay $0x3  }
0x96: {  	_ =	strace s2  }
0x97: {  	_ =	strace $0x8FFFFFFF  }
0x98: {  	s18 =	sld [smem:$0x3FDB];
	_ =	sdelay $0x1  }
0x99: {  	s19 =	simm.s32 $_scs_section_size  }
0x9a: {  	s4 =	simm.s32 $_size__tile_overlayer_lowered;
	s5 =	simm.s32 $_tile_overlayer_lowered  }
0x9b: {  	s22 =	simm.s32 $0x1BFF;
	s21 =	sshll.u32 s5, $0x1;
	s2 =	sadd.s32 s19, s18  }
0x9c: {  	s6 =	simm.s32 $0x0;
	s20 =	sshll.u32 s4, $0x1;
	s4 =	sadd.s32 s21, s2  }
0x9d: {  	[timem:s6], [sflag:s22] =	dma.local [hbm:s4], s20  }
0x9e: {  	_ =	swait.ge [sflag:s22], s20  }
0x9f: {  	s3 =	ssub.s32 $0x0, s20;
	[sflag:s22] =	ssyncset.done $0x0  }
0xa0: {  	[sflag:s22] =	ssyncadd.s32 s3;
	_ =	sdelay $0x1  }
0xa1: {  	s23 =	simm.s32 $0x1B8B  }
0xa2: {  	_ =	swait.ge [sflag:s23], $0x1  }
0xa3: {  	[sflag:s23] =	ssyncset.done $0x0  }
0xa4: {  	s25 =	simm.s32 $0x1B8E;
	s24 =	sld [smem:$0x3FFE];
	[sflag:s23] =	ssyncadd.s32 $0xFFFFFFFF  }
0xa5: {  	s26 =	simm.s32 $execute0_lowered;
	[smem:$0x3FD2] =	sst s25  }
0xa6: {  	s4 =	sshll.u32 s26, $0x1;
	_ =	strace $0x80000046;
	[dreg:$0x1] =	wrdreg $0xFFFFFFFF  }
0xa7: {  	s28 =	simm.s32 $_size_execute0_lowered;
	s2 =	sadd.s32 s2, s4;
	[dreg:$0x0] =	wrdreg $0x0  }
0xa8: {  	s4 =	sshll.u32 s28, $0x1;
	[dreg:$0x2] =	wrdreg s2  }
0xa9: {  	[dreg:$0x3] =	wrdreg s4  }
0xaa: {  	[dreg:$0x4] =	wrdreg $0xC0  }
0xab: {  	_ =	task [dreg:s6], $0x5FFFF  }
0xac: {  	[dreg:$0x1] =	wrdreg $0xFFFFFFFF  }
0xad: {  	[dreg:$0x0] =	wrdreg $0x60  }
0xae: {  	[dreg:$0x2] =	wrdreg s24  }
0xaf: {  	[dreg:$0x3] =	wrdreg $0x9  }
0xb0: {  	_ =	task.clear_ibuf [dreg:s6], $0x4FFFF;
	_ =	strace $0x90000046  }
0xb1: {  	s29 =	simm.s32 $0x9;
	_ =	strace $0x80000048  }
0xb2: {  	_ =	swait.ge [sflag:s29], $0x1  }
0xb3: {  	[sflag:s29] =	ssyncadd.s32 $0xFFFFFFFF  }
0xb4: {  	_ =	strace $0x90000048  }
0xb5: {  	_ =	sfence  }
0xb6: {  	s30 =	sld [smem:$0x0];
	_ =	sdelay $0x2  }
0xb7: {  	s31 =	sshll.u32 s1, $0xD;
	s1 =	sshrl.u32 s1, $0x2  }
0xb8: {  	s3 =	sand.u32 $0x4000, s31;
	s1 =	sadd.s32 s1, s30  }
0xb9: {  	s0 =	sor.u32 s3, s0;
	s1 =	sshll.u32 s1, $0x11  }
0xba: {  	s0 =	sor.u32 s1, s0  }
0xbb: {  	s0 =	sadd.s32 $0x8F2B, s0  }
0xbc: {  	[sflag:s0] =	ssyncadd.remote.s32 $0x1  }
0xbd: {  	_ =	sfence.sel $0xFFFF  }
0xbe: {  	[dreg:$0x0] =	wrdreg $0xFFFFFFFF;
	(pc) =	sbr.abs _section_cstart, $3  }
0xbf: {  	[dreg:$0x1] =	wrdreg $0xFFFFFFFF  }
0xc0: {  	_ =	task.clear_ibuf [dreg:s6], $0x2FFFF;
	_ =	strace $0x9FFFFFFF  }
0xc1: {  	(tm) =	ssettm $0x7FFFFFFF  }
tec
execute0_lowered:
.L_overlay_start_1:
0x0: {  	(tag) =	ssettag $0x1  }
0x1: {  	s1 =	srdreg.scid  }
0x2: {  	s0 =	stileid.u32;
	s4 =	rddreg [dreg:$0x0];
	s2 =	simm.s32 $0x0  }
0x3: {  	s6 =	simm.s32 $0x1;
	s3 =	sand.u32 $0x1, s1;
	s30 =	sshll.u32 s0, $0x1  }
0x4: {  	s7 =	simm.s32 $0x7D00;
	s8 =	simm.s32 $0x2;
	s1 =	sor.u32 s3, s30  }
0x5: {  	[smem:$0x7FF] =	sst s2;
	s3 =	ssub.s32 $0x2, s3;
	s5 =	smul.u32 $0xFA0, s1  }
0x6: {  	s9 =	simm.s32 $0x0;
	s1 =	rddreg [dreg:$0x1];
	s31 =	sshrl.u32 s3, $0x1  }
0x7: {  	v0 =	vimm.f32 $0.0e+00;
	_ =	strace $0x80000047;
	s4 =	sadd.s32 s5, s4;
	s5 =	ssub.s32 s3, s31  }
0x8: {  	v1 =	vimm.f32 $1.000000000e+00;
	v2 =	vlaneseq.u32;
	vm0 =	vmmov $0xff;
	s3 =	sadd.s32 $0x800, s4;
	s4 =	sadd.s32 $0x1FC00, s4;
	s5 =	smax.u32 s5, $0x1  }
.LBB2_1:
0x9: {  	[tilespmem:s2], [sflag:$0x1] =	stream.linear.gather [hbm4b:s3+s2], $0x7D00, $0x38;
	[tilespmem:$0xFA00] =	vst v63  }
0xa: {  	s11 =	simm.s32 $0x100;
	s10 =	simm.s32 $0x0  }
.LBB2_2:
0xb: {  	p0 =	sne.s32 s11, $0x1F300;
	[tilespmem:s10+$0x7D30] =	vst v0;
	s12 =	smov.u32 s11;
	s11 =	sadd.s32 $0x100, s11  }
.Ltmp0:
0xc: {  	[tilespmem:s10+$0x7D20] =	vst v0;
	(pc) =	sbr.rel @p0 .LBB2_2-.Ltmp0, $3  }
0xd: {  	[tilespmem:s10+$0x7D00] =	vst v0  }
0xe: {  	[tilespmem:s10+$0x7D10] =	vst v0;
	_ =	sdelay $0x1  }
0xf: {  	s10 =	sshra.s32 s12, $0x2  }
0x10: {  	[tilespmem:s10+$0x7D30] =	vst v0  }
0x11: {  	[tilespmem:s10+$0x7D20] =	vst v0  }
0x12: {  	[tilespmem:s10+$0x7D00] =	vst v0  }
0x13: {  	[tilespmem:s10+$0x7D10] =	vst v0  }
0x14: {  	_ =	swait.ge [sflag:s6], $0x7D00  }
0x15: {  	[sflag:s6] =	ssyncset.done $0x0  }
0x16: {  	s10 =	simm.s32 $0x0;
	s11 =	simm.s32 $0x0;
	[sflag:s6] =	ssyncadd.s32 $0xFFFF8300  }
.LBB2_4:
0x17: {  	v4 =	vmov s10;
	_ =	sdelay $0x1  }
0x18: {  	s12 =	smul.u32 $0x3E8, s11;
	_ =	sdelay $0x1  }
0x19: {  	s14 =	simm.s32 $0x0;
	s13 =	simm.s32 $0x40;
	v3 =	vmov s12  }
.LBB2_5:
0x1a: {  	p0 =	sne.s32 s13, $0xF40;
	v5 =	vld.idx.msk [tilespmem:v4+s14+$0x0 ss:$0x1], $0xffff;
	_ =	sdelay $0x5  }
0x1b: {  	v5 =	vtrunc.f32 v5  }
0x1c: {  	v5 =	vcvt.f32.s32 v5;
	_ =	sdelay $0x1  }
0x1d: {  	v5 =	vadd.s32 v5, v3  }
.Ltmp1:
0x1e: {  	(pc) =	sbr.rel @p0 .LBB2_5-.Ltmp1, $2  }
0x1f: {  	_ =	sdelay $0x2  }
0x20: {  	s14 =	sshra.s32 s13, $0x2;
	s13 =	sadd.s32 $0x40, s13;
	[tilespmem:v5+s7+$0x0] =	vst.idx.add.f32.msk $0xffff, v1  }
0x21: {  	_ =	sdelay $0x3  }
0x22: {  	v4 =	vld.idx.msk [tilespmem:v4+s14+$0x0 ss:$0x1], $0xffff;
	_ =	sdelay $0x4  }
0x23: {  	v4 =	vtrunc.f32 v4  }
0x24: {  	v4 =	vcvt.f32.s32 v4  }
0x25: {  	s12 =	sadd.s32 $0x3E0, s12  }
0x26: {  	v5 =	vor.u32 s12, v2;
	v4 =	vadd.s32 v4, v3  }
0x27: {  	v5 =	vsel vm0, v5, v3;
	_ =	sdelay $0x3  }
0x28: {  	[tilespmem:v4+s7+$0x0] =	vst.idx.add.f32.msk $0xffff, v1  }
0x29: {  	v4 =	vld.idx.msk [tilespmem:v5+s2+$0x0], $0xffff;
	_ =	sdelay $0x4  }
0x2a: {  	v4 =	vtrunc.f32 v4  }
0x2b: {  	v4 =	vcvt.f32.s32 v4  }
0x2c: {  	s11 =	sadd.s32 $0x1, s11  }
0x2d: {  	p0 =	sne.s32 s11, $0x20;
	v3 =	vadd.s32 v4, v3  }
.Ltmp2:
0x2e: {  	_ = 	snop;
	(pc) =	sbr.rel @p0 .LBB2_4-.Ltmp2, $2  }
0x2f: {  	_ =	sdelay $0x2  }
0x30: {  	s10 =	sadd.s32 $0x3E8, s10;
	[tilespmem:v3+s7+$0x0] =	vst.idx.add.f32.msk $0xff, v1  }
0x31: {  	s9 =	sadd.s32 $0x1, s9  }
0x32: {  	p0 =	sne.s32 s9, s5  }
.Ltmp3:
0x33: {  	_ = 	snop;
	(pc) =	sbr.rel @p0 .LBB2_1-.Ltmp3, $4  }
0x34: {  	[hbm4b:s4+s2] =	stream.linear.scatter [tilespmem:s7], [sflag:$0x2], $0x7D00, $0x38;
	[tilespmem:$0xFA00] =	vst v63  }
0x35: {  	_ =	swait.ge [sflag:s8], $0x7D00  }
0x36: {  	[sflag:s8] =	ssyncset.done $0x0  }
0x37: {  	[sflag:s8] =	ssyncadd.s32 $0xFFFF8300  }
0x38: {  	_ =	sfence.sel $0x180000  }
0x39: {  	[bflag:$0x0] =	sbarrier.arrive $0xFFFF  }
0x3a: {  	p0 =	sne.s32 s0, $0x0;
	_ =	strace $0x90000047  }
0x3b: {  	s0 =	sadd.s32 @!p0 $0x100000, s1;
	[bflag:$0x2] =	sbarrier.arrive $0xFFFF  }
0x3c: {  	[sflag:s0] =	ssyncadd.tile.s32 @!p0 $0x1;
	_ =	shalt  }
.Lfunc_end2:
_tile_overlayer_lowered:
.L_overlay_start_2:
0x3d: {  	(tag) =	ssettag $0x2  }
0x3e: {  	s0 =	rddreg [dreg:$0x0];
	s2 =	stileid.u32  }
0x3f: {  	s1 =	rddreg [dreg:$0x1];
	p0 =	sne.s32 s2, $0x0  }
0x40: {  	s3 =	rddreg [dreg:$0x2];
	[bflag:$0x3] =	sbarrier.arrive $0xFFFF;
	s2 =	simm.s32 @!p0 $0x1C02  }
0x41: {  	[timem:s3], [sflag:s2] =	dma.local @!p0 [hbm:s0], s1  }
0x42: {  	s0 =	simm.s32 @!p0 $0x2  }
0x43: {  	_ =	swait.ge @!p0 [sflag:s0], s1  }
0x44: {  	s1 =	ssub.s32 @!p0 $0x0, s1;
	[sflag:s0] =	ssyncset.done @!p0 $0x0  }
0x45: {  	[sflag:s0] =	ssyncadd.s32 @!p0 s1  }
0x46: {  	[bflag:$0x3] =	sbarrier.arrive $0xFFFF  }
0x47: {  	_ =	shalt  }

</sc_bundles>
